<compile_context>
chip_gen: v7x
topology: tpu7x:2x2x1
jax: 0.10.2.dev20260603
libtpu: 0.0.44.dev20260713+nightly
codegen_flags: <defaults>
</compile_context>

<pallas_src>
import functools
import math

import jax
import jax.numpy as jnp
from jax.experimental import pallas as pl

_NUM_EXPERTS = 64
_K = 8
_DIM = 768
_FREQ_DIM = 256
_B = 128
_HW = 16
_S = _HW * _HW
_NOISE_STD = 1.0 / _NUM_EXPERTS
_TAU = 1.0
_NEG = -1e30


def _pool_body(x_ref, o_ref):
    ones = jnp.full((_S, 1), 1.0, dtype=jnp.float32)
    s = jax.lax.dot_general(
        x_ref[...], ones,
        dimension_numbers=(((1,), (0,)), ((), ())),
        precision=jax.lax.Precision.HIGHEST,
        preferred_element_type=jnp.float32,
    )
    o_ref[...] = s * (1.0 / _S)


def _router_body(pooled_ref, freq_ref, wg_ref, wf_ref, comp_ref, noise_ref,
                 gates_ref, idx_ref, vals_ref, aux_ref):
    f32 = jnp.float32
    pooled = pooled_ref[...]
    logits = jax.lax.dot_general(
        pooled, wg_ref[...], (((1,), (1,)), ((), ())),
        precision=jax.lax.Precision.DEFAULT, preferred_element_type=f32)
    logits = logits + jax.lax.dot_general(
        freq_ref[...], wf_ref[...], (((1,), (1,)), ((), ())),
        precision=jax.lax.Precision.DEFAULT, preferred_element_type=f32)

    m = jnp.max(logits, axis=-1, keepdims=True)
    e = jnp.exp(logits - m)
    clean = e / jnp.sum(e, axis=-1, keepdims=True)
    importance = jnp.sum(clean, axis=0, keepdims=True) * comp_ref[...] * _TAU
    imp_mean = jnp.sum(importance, axis=1, keepdims=True) * (1.0 / _NUM_EXPERTS)
    imp_var = jnp.sum((importance - imp_mean) ** 2, axis=1, keepdims=True) * (
        1.0 / (_NUM_EXPERTS - 1))
    loss_imp = imp_var / (imp_mean + 1e-8) ** 2

    noisy = logits + noise_ref[...]
    m2 = jnp.max(noisy, axis=-1, keepdims=True)
    e2 = jnp.exp(noisy - m2)
    gprobs = e2 / jnp.sum(e2, axis=-1, keepdims=True)

    iota = jax.lax.broadcasted_iota(jnp.int32, (_B, _NUM_EXPERTS), 1)
    work = noisy
    gates = jnp.zeros((_B, _NUM_EXPERTS), f32)
    thr = None
    for k in range(_K):
        mk = jnp.max(work, axis=-1, keepdims=True)
        idxk = jnp.min(jnp.where(work == mk, iota, _NUM_EXPERTS),
                       axis=-1, keepdims=True)
        onehot = iota == idxk
        valk = jnp.sum(jnp.where(onehot, gprobs, 0.0), axis=-1, keepdims=True)
        gates = jnp.where(onehot, gprobs, gates)
        idx_ref[:, k:k + 1] = idxk
        vals_ref[:, k:k + 1] = valk
        work = jnp.where(onehot, _NEG, work)
        if k == _K - 1:
            thr = mk
    gates_ref[...] = gates

    inv_sqrt2 = 1.0 / math.sqrt(2.0)
    nr = (thr - logits) * (1.0 / _NOISE_STD)
    p = 1.0 - 0.5 * (1.0 + jax.lax.erf(nr * inv_sqrt2))
    p_mean = jnp.sum(p, axis=0, keepdims=True) * (1.0 / _B)
    pmm = jnp.sum(p_mean, axis=1, keepdims=True) * (1.0 / _NUM_EXPERTS)
    p_var = jnp.sum((p_mean - pmm) ** 2, axis=1, keepdims=True) * (
        1.0 / (_NUM_EXPERTS - 1))
    loss_load = p_var / (pmm + 1e-8) ** 2

    aux_ref[...] = 0.5 * loss_imp + 0.5 * loss_load


@functools.partial(jax.jit, static_argnames=("interpret",))
def _impl(x, freq_emb, W_gate, W_freq, complexity, interpret=False):
    noise = jax.random.normal(
        jax.random.key(1), (_B, _NUM_EXPERTS), dtype=jnp.float32) * _NOISE_STD

    x2 = x.reshape(_B * _DIM, _S)
    rows = _B * _DIM
    blk = 4096
    pooled = pl.pallas_call(
        _pool_body,
        grid=(rows // blk,),
        in_specs=[pl.BlockSpec((blk, _S), lambda i: (i, 0))],
        out_specs=pl.BlockSpec((blk, 1), lambda i: (i, 0)),
        out_shape=jax.ShapeDtypeStruct((rows, 1), jnp.float32),
        interpret=interpret,
    )(x2)
    pooled = pooled.reshape(_B, _DIM)

    comp2 = complexity.reshape(1, _NUM_EXPERTS)
    gates, idx, vals, aux = pl.pallas_call(
        _router_body,
        in_specs=[pl.BlockSpec(a.shape, lambda: (0,) * a.ndim)
                  for a in (pooled, freq_emb, W_gate, W_freq, comp2, noise)],
        out_specs=(
            pl.BlockSpec((_B, _NUM_EXPERTS), lambda: (0, 0)),
            pl.BlockSpec((_B, _K), lambda: (0, 0)),
            pl.BlockSpec((_B, _K), lambda: (0, 0)),
            pl.BlockSpec((1, 1), lambda: (0, 0)),
        ),
        out_shape=(
            jax.ShapeDtypeStruct((_B, _NUM_EXPERTS), jnp.float32),
            jax.ShapeDtypeStruct((_B, _K), jnp.int32),
            jax.ShapeDtypeStruct((_B, _K), jnp.float32),
            jax.ShapeDtypeStruct((1, 1), jnp.float32),
        ),
        interpret=interpret,
    )(pooled, freq_emb, W_gate, W_freq, comp2, noise)
    return gates, idx, vals, aux[0, 0]


def kernel(x, freq_emb, W_gate, W_freq, complexity):
    return _impl(x, freq_emb, W_gate, W_freq, complexity)

# --- scband reference (transcript-rebuilt; emitter-appended) ---
"""Pipeline reference for scband-routing-function-63221918597771 (READ-ONLY COPY).

The authoritative reference and input builder live on the scoring server;
editing this copy changes nothing except your own understanding.
"""

import jax, jax.numpy as jnp
import numpy as np

NUM_EXPERTS = 64
K = 8
DIM = 768
FREQ_DIM = 256
B = 128
HW = 16
NOISE_STD = 1.0 / NUM_EXPERTS
TAU = 1.0


def _normal_cdf(v):
    return 0.5 * (1.0 + jax.lax.erf(v / jnp.sqrt(2.0).astype(v.dtype)))


def setup_inputs(seed: int = 0) -> dict:
    key = jax.random.key(seed)
    k1, k2, k3, k4 = jax.random.split(key, 4)
    x = jax.random.normal(k1, (B, DIM, HW, HW), dtype=jnp.float32)
    freq_emb = jax.random.normal(k2, (B, FREQ_DIM), dtype=jnp.float32)
    # Linear weights, torch convention [out_features, in_features]
    W_gate = jax.random.normal(k3, (NUM_EXPERTS, DIM), dtype=jnp.float32) * (1.0 / np.sqrt(DIM))
    W_freq = jax.random.normal(k4, (NUM_EXPERTS, FREQ_DIM), dtype=jnp.float32) * (1.0 / np.sqrt(FREQ_DIM))
    complexity = jnp.arange(1.0, NUM_EXPERTS + 1.0, dtype=jnp.float32)
    complexity = complexity / complexity.max()  # complexity_scale='max'
    return {"x": x, "freq_emb": freq_emb, "W_gate": W_gate, "W_freq": W_freq, "complexity": complexity}


def reference(x, freq_emb, W_gate, W_freq, complexity):
    b = x.shape[0]
    # AdaptiveAvgPool2d(1) -> global average pool
    pooled = jnp.mean(x, axis=(2, 3))  # [B, DIM]
    logits = pooled @ W_gate.T + freq_emb @ W_freq.T  # [B, E]
    # importance loss (training path)
    gating_scores_clean = jax.nn.softmax(logits, axis=-1)
    importance = jnp.sum(gating_scores_clean, axis=0)
    importance = importance * (jax.lax.stop_gradient(complexity) * TAU)  # use_complexity_bias=True
    imp_mean = jnp.mean(importance)
    imp_std = jnp.std(importance, ddof=1)
    loss_imp = (imp_std / (imp_mean + 1e-08)) ** 2
    # deterministic noise (fixed key stands in for randn_like)
    noise = jax.random.normal(jax.random.key(1), logits.shape, dtype=jnp.float32) * NOISE_STD
    noisy_logits = logits + noise
    gating_scores = jax.nn.softmax(noisy_logits, axis=-1)
    top_k_values, top_k_indices = jax.lax.top_k(gating_scores, K)
    # load loss
    thresholds = jax.lax.top_k(noisy_logits, K)[1][:, -1]  # index of k-th largest
    threshold_per_item = jnp.sum(jax.nn.one_hot(thresholds, NUM_EXPERTS, dtype=noisy_logits.dtype) * noisy_logits, axis=-1)
    noise_required_to_win = (threshold_per_item[:, None] - logits) / NOISE_STD
    p = 1.0 - _normal_cdf(noise_required_to_win)
    p_mean = jnp.mean(p, axis=0)
    p_mean_std = jnp.std(p_mean, ddof=1)
    p_mean_mean = jnp.mean(p_mean)
    loss_load = (p_mean_std / (p_mean_mean + 1e-08)) ** 2
    aux_loss = 0.5 * loss_imp + 0.5 * loss_load
    # scatter top-k values back into dense gate matrix
    gates = jnp.zeros_like(logits).at[jnp.arange(b)[:, None], top_k_indices].set(top_k_values)
    return (gates, top_k_indices, top_k_values, aux_loss)

if __name__ == "__main__":
    import jax
    _d = setup_inputs()
    print(jax.jit(kernel)(*tuple(_d.values())))

</pallas_src>

<mosaic_0001>
module attributes {stable_mosaic.version = 14 : i64} {
  func.func @_pool_body(%arg0: i32, %arg1: memref<4096x256xf32, #tpu.memory_space<vmem>>, %arg2: memref<4096x1xf32, #tpu.memory_space<vmem>>) attributes {dimension_semantics = [#tpu.dimension_semantics<arbitrary>], iteration_bounds = array<i64: 24>, scalar_prefetch = 0 : i64, scratch_operands = 0 : i64, tpu.core_type = #tpu.core_type<tc>, window_params = [{transform_indices = @transform_0, window_bounds = array<i64: 4096, 256>}, {transform_indices = @transform_1, window_bounds = array<i64: 4096, 1>}]} {
    %broadcast_in_dim3A = arith.constant 1.000000e+00 : f32
    %broadcast_in_dim3A_0 = vector.broadcast %broadcast_in_dim3A : f32 to vector<256x1xf32>
    %get3A = arith.constant 0 : index
    %get3A_1 = arith.constant 0 : index
    %get3A_2 = vector.load %arg1[%get3A, %get3A_1] : memref<4096x256xf32, #tpu.memory_space<vmem>>, vector<4096x256xf32>
    %dot_general3A = arith.constant dense<0.000000e+00> : vector<4096x1xf32>
    %dot_general3A_3 = tpu.matmul %get3A_2, %broadcast_in_dim3A_0, %dot_general3A {dimension_numbers = #tpu.dot_dimension_numbers<[1], [0], [0], [1], [0, 0, 1, 1], [], []>, precision = #tpu.contract_precision<fp32>, transpose_lhs_hint = false} : vector<4096x256xf32>, vector<256x1xf32>, vector<4096x1xf32> -> vector<4096x1xf32>
    %mul3A = arith.constant 3.906250e-03 : f32
    %mul3A_4 = vector.broadcast %mul3A : f32 to vector<4096x1xf32>
    %mul3A_5 = arith.mulf %dot_general3A_3, %mul3A_4 : vector<4096x1xf32>
    %swap3A = arith.constant 0 : index
    %swap3A_6 = arith.constant 0 : index
    %swap3A_7 = vector.load %arg2[%swap3A, %swap3A_6] : memref<4096x1xf32, #tpu.memory_space<vmem>>, vector<4096x1xf32>
    tpu.vector_store %arg2[%swap3A, %swap3A_6], %mul3A_5 {strides = array<i32>} : memref<4096x1xf32, #tpu.memory_space<vmem>>, vector<4096x1xf32>,
    return
  }
  func.func @transform_0(%arg0: i32) -> (i32, i32) {
    %c0_i32 = arith.constant 0 : i32
    %c0_i32_0 = arith.constant 0 : i32
    return %arg0, %c0_i32 : i32, i32
  }
  func.func @transform_1(%arg0: i32) -> (i32, i32) {
    %c0_i32 = arith.constant 0 : i32
    %c0_i32_0 = arith.constant 0 : i32
    return %arg0, %c0_i32 : i32, i32
  }
}

module attributes {stable_mosaic.version = 14 : i64} {
  func.func @_router_body(%arg0: memref<128x768xf32, #tpu.memory_space<vmem>>, %arg1: memref<128x256xf32, #tpu.memory_space<vmem>>, %arg2: memref<64x768xf32, #tpu.memory_space<vmem>>, %arg3: memref<64x256xf32, #tpu.memory_space<vmem>>, %arg4: memref<1x64xf32, #tpu.memory_space<vmem>>, %arg5: memref<128x64xf32, #tpu.memory_space<vmem>>, %arg6: memref<128x64xf32, #tpu.memory_space<vmem>>, %arg7: memref<128x8xi32, #tpu.memory_space<vmem>>, %arg8: memref<128x8xf32, #tpu.memory_space<vmem>>, %arg9: memref<1x1xf32, #tpu.memory_space<vmem>>) attributes {dimension_semantics = [], scalar_prefetch = 0 : i64, scratch_operands = 0 : i64, tpu.core_type = #tpu.core_type<tc>} {
    %get3A = arith.constant 0 : index
    %get3A_0 = arith.constant 0 : index
    %get3A_1 = vector.load %arg0[%get3A, %get3A_0] : memref<128x768xf32, #tpu.memory_space<vmem>>, vector<128x768xf32>
    %get3A_2 = arith.constant 0 : index
    %get3A_3 = arith.constant 0 : index
    %get3A_4 = vector.load %arg2[%get3A_2, %get3A_3] : memref<64x768xf32, #tpu.memory_space<vmem>>, vector<64x768xf32>
    %dot_general3A = arith.constant dense<0.000000e+00> : vector<128x64xf32>
    %dot_general3A_5 = tpu.matmul %get3A_1, %get3A_4, %dot_general3A {dimension_numbers = #tpu.dot_dimension_numbers<[1], [1], [0], [0], [0, 0, 1, 0], [], []>, transpose_lhs_hint = false} : vector<128x768xf32>, vector<64x768xf32>, vector<128x64xf32> -> vector<128x64xf32>
    %get3A_6 = arith.constant 0 : index
    %get3A_7 = arith.constant 0 : index
    %get3A_8 = vector.load %arg1[%get3A_6, %get3A_7] : memref<128x256xf32, #tpu.memory_space<vmem>>, vector<128x256xf32>
    %get3A_9 = arith.constant 0 : index
    %get3A_10 = arith.constant 0 : index
    %get3A_11 = vector.load %arg3[%get3A_9, %get3A_10] : memref<64x256xf32, #tpu.memory_space<vmem>>, vector<64x256xf32>
    %dot_general3A_12 = arith.constant dense<0.000000e+00> : vector<128x64xf32>
    %dot_general3A_13 = tpu.matmul %get3A_8, %get3A_11, %dot_general3A_12 {dimension_numbers = #tpu.dot_dimension_numbers<[1], [1], [0], [0], [0, 0, 1, 0], [], []>, transpose_lhs_hint = false} : vector<128x256xf32>, vector<64x256xf32>, vector<128x64xf32> -> vector<128x64xf32>
    %add3A = arith.addf %dot_general3A_5, %dot_general3A_13 : vector<128x64xf32>
    %reduce_max3A = arith.constant dense<0xFF800000> : vector<128xf32>
    %reduce_max3A_14 = vector.multi_reduction <maximumf>, %add3A, %reduce_max3A [1] : vector<128x64xf32> to vector<128xf32>
    %broadcast_in_dim3A = vector.shape_cast %reduce_max3A_14 : vector<128xf32> to vector<128x1xf32>
    %sub3A = vector.broadcast %broadcast_in_dim3A : vector<128x1xf32> to vector<128x64xf32>
    %sub3A_15 = arith.subf %add3A, %sub3A : vector<128x64xf32>
    %exp3A = math.exp %sub3A_15 : vector<128x64xf32>
    %reduce_sum3A = arith.constant dense<0.000000e+00> : vector<128xf32>
    %reduce_sum3A_16 = vector.multi_reduction <add>, %exp3A, %reduce_sum3A [1] : vector<128x64xf32> to vector<128xf32>
    %broadcast_in_dim3A_17 = vector.shape_cast %reduce_sum3A_16 : vector<128xf32> to vector<128x1xf32>
    %div3A = vector.broadcast %broadcast_in_dim3A_17 : vector<128x1xf32> to vector<128x64xf32>
    %div3A_18 = arith.divf %exp3A, %div3A : vector<128x64xf32>
    %reduce_sum3A_19 = arith.constant dense<0.000000e+00> : vector<64xf32>
    %reduce_sum3A_20 = vector.multi_reduction <add>, %div3A_18, %reduce_sum3A_19 [0] : vector<128x64xf32> to vector<64xf32>
    %broadcast_in_dim3A_21 = vector.shape_cast %reduce_sum3A_20 : vector<64xf32> to vector<1x64xf32>
    %get3A_22 = arith.constant 0 : index
    %get3A_23 = arith.constant 0 : index
    %get3A_24 = vector.load %arg4[%get3A_22, %get3A_23] : memref<1x64xf32, #tpu.memory_space<vmem>>, vector<1x64xf32>
    %mul3A = arith.mulf %broadcast_in_dim3A_21, %get3A_24 : vector<1x64xf32>
    %mul3A_25 = arith.constant 1.000000e+00 : f32
    %mul3A_26 = vector.broadcast %mul3A_25 : f32 to vector<1x64xf32>
    %mul3A_27 = arith.mulf %mul3A, %mul3A_26 : vector<1x64xf32>
    %reduce_sum3A_28 = arith.constant dense<0.000000e+00> : vector<1xf32>
    %reduce_sum3A_29 = vector.multi_reduction <add>, %mul3A_27, %reduce_sum3A_28 [1] : vector<1x64xf32> to vector<1xf32>
    %broadcast_in_dim3A_30 = vector.shape_cast %reduce_sum3A_29 : vector<1xf32> to vector<1x1xf32>
    %mul3A_31 = arith.constant 1.562500e-02 : f32
    %mul3A_32 = vector.broadcast %mul3A_31 : f32 to vector<1x1xf32>
    %mul3A_33 = arith.mulf %broadcast_in_dim3A_30, %mul3A_32 : vector<1x1xf32>
    %sub3A_34 = vector.broadcast %mul3A_33 : vector<1x1xf32> to vector<1x64xf32>
    %sub3A_35 = arith.subf %mul3A_27, %sub3A_34 : vector<1x64xf32>
    %integer_pow3A = arith.mulf %sub3A_35, %sub3A_35 : vector<1x64xf32>
    %reduce_sum3A_36 = arith.constant dense<0.000000e+00> : vector<1xf32>
    %reduce_sum3A_37 = vector.multi_reduction <add>, %integer_pow3A, %reduce_sum3A_36 [1] : vector<1x64xf32> to vector<1xf32>
    %broadcast_in_dim3A_38 = vector.shape_cast %reduce_sum3A_37 : vector<1xf32> to vector<1x1xf32>
    %mul3A_39 = arith.constant 0.0158730168 : f32
    %mul3A_40 = vector.broadcast %mul3A_39 : f32 to vector<1x1xf32>
    %mul3A_41 = arith.mulf %broadcast_in_dim3A_38, %mul3A_40 : vector<1x1xf32>
    %add3A_42 = arith.constant 9.99999993E-9 : f32
    %add3A_43 = vector.broadcast %add3A_42 : f32 to vector<1x1xf32>
    %add3A_44 = arith.addf %mul3A_33, %add3A_43 : vector<1x1xf32>
    %integer_pow3A_45 = arith.mulf %add3A_44, %add3A_44 : vector<1x1xf32>
    %div3A_46 = arith.divf %mul3A_41, %integer_pow3A_45 : vector<1x1xf32>
    %get3A_47 = arith.constant 0 : index
    %get3A_48 = arith.constant 0 : index
    %get3A_49 = vector.load %arg5[%get3A_47, %get3A_48] : memref<128x64xf32, #tpu.memory_space<vmem>>, vector<128x64xf32>
    %add3A_50 = arith.addf %add3A, %get3A_49 : vector<128x64xf32>
    %reduce_max3A_51 = arith.constant dense<0xFF800000> : vector<128xf32>
    %reduce_max3A_52 = vector.multi_reduction <maximumf>, %add3A_50, %reduce_max3A_51 [1] : vector<128x64xf32> to vector<128xf32>
    %broadcast_in_dim3A_53 = vector.shape_cast %reduce_max3A_52 : vector<128xf32> to vector<128x1xf32>
    %sub3A_54 = vector.broadcast %broadcast_in_dim3A_53 : vector<128x1xf32> to vector<128x64xf32>
    %sub3A_55 = arith.subf %add3A_50, %sub3A_54 : vector<128x64xf32>
    %exp3A_56 = math.exp %sub3A_55 : vector<128x64xf32>
    %reduce_sum3A_57 = arith.constant dense<0.000000e+00> : vector<128xf32>
    %reduce_sum3A_58 = vector.multi_reduction <add>, %exp3A_56, %reduce_sum3A_57 [1] : vector<128x64xf32> to vector<128xf32>
    %broadcast_in_dim3A_59 = vector.shape_cast %reduce_sum3A_58 : vector<128xf32> to vector<128x1xf32>
    %div3A_60 = vector.broadcast %broadcast_in_dim3A_59 : vector<128x1xf32> to vector<128x64xf32>
    %div3A_61 = arith.divf %exp3A_56, %div3A_60 : vector<128x64xf32>
    %iota3A = tpu.iota {dimensions = array<i32: 1>} : vector<128x64xi32>
    %broadcast_in_dim3A_62 = arith.constant 0.000000e+00 : f32
    %broadcast_in_dim3A_63 = vector.broadcast %broadcast_in_dim3A_62 : f32 to vector<128x64xf32>
    %reduce_max3A_64 = arith.constant dense<0xFF800000> : vector<128xf32>
    %reduce_max3A_65 = vector.multi_reduction <maximumf>, %add3A_50, %reduce_max3A_64 [1] : vector<128x64xf32> to vector<128xf32>
    %broadcast_in_dim3A_66 = vector.shape_cast %reduce_max3A_65 : vector<128xf32> to vector<128x1xf32>
    %eq3A = vector.broadcast %broadcast_in_dim3A_66 : vector<128x1xf32> to vector<128x64xf32>
    %eq3A_67 = arith.cmpf oeq, %add3A_50, %eq3A : vector<128x64xf32>
    %jit3A = arith.constant 64 : i32
    %broadcast_in_dim3A_68 = vector.broadcast %jit3A : i32 to vector<128x64xi32>
    %select_n3A = arith.select %eq3A_67, %iota3A, %broadcast_in_dim3A_68 : vector<128x64xi1>, vector<128x64xi32>
    %reduce_min3A = arith.constant dense<2147483647> : vector<128xi32>
    %reduce_min3A_69 = vector.multi_reduction <minsi>, %select_n3A, %reduce_min3A [1] : vector<128x64xi32> to vector<128xi32>
    %broadcast_in_dim3A_70 = vector.shape_cast %reduce_min3A_69 : vector<128xi32> to vector<128x1xi32>
    %eq3A_71 = vector.broadcast %broadcast_in_dim3A_70 : vector<128x1xi32> to vector<128x64xi32>
    %eq3A_72 = arith.cmpi eq, %iota3A, %eq3A_71 : vector<128x64xi32>
    %jit3A_73 = arith.constant 0.000000e+00 : f32
    %broadcast_in_dim3A_74 = vector.broadcast %jit3A_73 : f32 to vector<128x64xf32>
    %select_n3A_75 = arith.select %eq3A_72, %div3A_61, %broadcast_in_dim3A_74 : vector<128x64xi1>, vector<128x64xf32>
    %reduce_sum3A_76 = arith.constant dense<0.000000e+00> : vector<128xf32>
    %reduce_sum3A_77 = vector.multi_reduction <add>, %select_n3A_75, %reduce_sum3A_76 [1] : vector<128x64xf32> to vector<128xf32>
    %broadcast_in_dim3A_78 = vector.shape_cast %reduce_sum3A_77 : vector<128xf32> to vector<128x1xf32>
    %select_n3A_79 = arith.select %eq3A_72, %div3A_61, %broadcast_in_dim3A_63 : vector<128x64xi1>, vector<128x64xf32>
    %swap3A = arith.constant 0 : index
    %swap3A_80 = arith.constant 0 : index
    %swap3A_81 = vector.load %arg7[%swap3A, %swap3A_80] : memref<128x8xi32, #tpu.memory_space<vmem>>, vector<128x1xi32>
    tpu.vector_store %arg7[%swap3A, %swap3A_80], %broadcast_in_dim3A_70 {strides = array<i32>} : memref<128x8xi32, #tpu.memory_space<vmem>>, vector<128x1xi32>,
    %swap3A_82 = arith.constant 0 : index
    %swap3A_83 = arith.constant 0 : index
    %swap3A_84 = vector.load %arg8[%swap3A_82, %swap3A_83] : memref<128x8xf32, #tpu.memory_space<vmem>>, vector<128x1xf32>
    tpu.vector_store %arg8[%swap3A_82, %swap3A_83], %broadcast_in_dim3A_78 {strides = array<i32>} : memref<128x8xf32, #tpu.memory_space<vmem>>, vector<128x1xf32>,
    %jit3A_85 = arith.constant -1.000000e+30 : f32
    %broadcast_in_dim3A_86 = vector.broadcast %jit3A_85 : f32 to vector<128x64xf32>
    %select_n3A_87 = arith.select %eq3A_72, %broadcast_in_dim3A_86, %add3A_50 : vector<128x64xi1>, vector<128x64xf32>
    %reduce_max3A_88 = arith.constant dense<0xFF800000> : vector<128xf32>
    %reduce_max3A_89 = vector.multi_reduction <maximumf>, %select_n3A_87, %reduce_max3A_88 [1] : vector<128x64xf32> to vector<128xf32>
    %broadcast_in_dim3A_90 = vector.shape_cast %reduce_max3A_89 : vector<128xf32> to vector<128x1xf32>
    %eq3A_91 = vector.broadcast %broadcast_in_dim3A_90 : vector<128x1xf32> to vector<128x64xf32>
    %eq3A_92 = arith.cmpf oeq, %select_n3A_87, %eq3A_91 : vector<128x64xf32>
    %jit3A_93 = arith.constant 64 : i32
    %broadcast_in_dim3A_94 = vector.broadcast %jit3A_93 : i32 to vector<128x64xi32>
    %select_n3A_95 = arith.select %eq3A_92, %iota3A, %broadcast_in_dim3A_94 : vector<128x64xi1>, vector<128x64xi32>
    %reduce_min3A_96 = arith.constant dense<2147483647> : vector<128xi32>
    %reduce_min3A_97 = vector.multi_reduction <minsi>, %select_n3A_95, %reduce_min3A_96 [1] : vector<128x64xi32> to vector<128xi32>
    %broadcast_in_dim3A_98 = vector.shape_cast %reduce_min3A_97 : vector<128xi32> to vector<128x1xi32>
    %eq3A_99 = vector.broadcast %broadcast_in_dim3A_98 : vector<128x1xi32> to vector<128x64xi32>
    %eq3A_100 = arith.cmpi eq, %iota3A, %eq3A_99 : vector<128x64xi32>
    %jit3A_101 = arith.constant 0.000000e+00 : f32
    %broadcast_in_dim3A_102 = vector.broadcast %jit3A_101 : f32 to vector<128x64xf32>
    %select_n3A_103 = arith.select %eq3A_100, %div3A_61, %broadcast_in_dim3A_102 : vector<128x64xi1>, vector<128x64xf32>
    %reduce_sum3A_104 = arith.constant dense<0.000000e+00> : vector<128xf32>
    %reduce_sum3A_105 = vector.multi_reduction <add>, %select_n3A_103, %reduce_sum3A_104 [1] : vector<128x64xf32> to vector<128xf32>
    %broadcast_in_dim3A_106 = vector.shape_cast %reduce_sum3A_105 : vector<128xf32> to vector<128x1xf32>
    %select_n3A_107 = arith.select %eq3A_100, %div3A_61, %select_n3A_79 : vector<128x64xi1>, vector<128x64xf32>
    %swap3A_108 = arith.constant 0 : index
    %swap3A_109 = arith.constant 1 : index
    %swap3A_110 = vector.load %arg7[%swap3A_108, %swap3A_109] : memref<128x8xi32, #tpu.memory_space<vmem>>, vector<128x1xi32>
    tpu.vector_store %arg7[%swap3A_108, %swap3A_109], %broadcast_in_dim3A_98 {strides = array<i32>} : memref<128x8xi32, #tpu.memory_space<vmem>>, vector<128x1xi32>,
    %swap3A_111 = arith.constant 0 : index
    %swap3A_112 = arith.constant 1 : index
    %swap3A_113 = vector.load %arg8[%swap3A_111, %swap3A_112] : memref<128x8xf32, #tpu.memory_space<vmem>>, vector<128x1xf32>
    tpu.vector_store %arg8[%swap3A_111, %swap3A_112], %broadcast_in_dim3A_106 {strides = array<i32>} : memref<128x8xf32, #tpu.memory_space<vmem>>, vector<128x1xf32>,
    %jit3A_114 = arith.constant -1.000000e+30 : f32
    %broadcast_in_dim3A_115 = vector.broadcast %jit3A_114 : f32 to vector<128x64xf32>
    %select_n3A_116 = arith.select %eq3A_100, %broadcast_in_dim3A_115, %select_n3A_87 : vector<128x64xi1>, vector<128x64xf32>
    %reduce_max3A_117 = arith.constant dense<0xFF800000> : vector<128xf32>
    %reduce_max3A_118 = vector.multi_reduction <maximumf>, %select_n3A_116, %reduce_max3A_117 [1] : vector<128x64xf32> to vector<128xf32>
    %broadcast_in_dim3A_119 = vector.shape_cast %reduce_max3A_118 : vector<128xf32> to vector<128x1xf32>
    %eq3A_120 = vector.broadcast %broadcast_in_dim3A_119 : vector<128x1xf32> to vector<128x64xf32>
    %eq3A_121 = arith.cmpf oeq, %select_n3A_116, %eq3A_120 : vector<128x64xf32>
    %jit3A_122 = arith.constant 64 : i32
    %broadcast_in_dim3A_123 = vector.broadcast %jit3A_122 : i32 to vector<128x64xi32>
    %select_n3A_124 = arith.select %eq3A_121, %iota3A, %broadcast_in_dim3A_123 : vector<128x64xi1>, vector<128x64xi32>
    %reduce_min3A_125 = arith.constant dense<2147483647> : vector<128xi32>
    %reduce_min3A_126 = vector.multi_reduction <minsi>, %select_n3A_124, %reduce_min3A_125 [1] : vector<128x64xi32> to vector<128xi32>
    %broadcast_in_dim3A_127 = vector.shape_cast %reduce_min3A_126 : vector<128xi32> to vector<128x1xi32>
    %eq3A_128 = vector.broadcast %broadcast_in_dim3A_127 : vector<128x1xi32> to vector<128x64xi32>
    %eq3A_129 = arith.cmpi eq, %iota3A, %eq3A_128 : vector<128x64xi32>
    %jit3A_130 = arith.constant 0.000000e+00 : f32
    %broadcast_in_dim3A_131 = vector.broadcast %jit3A_130 : f32 to vector<128x64xf32>
    %select_n3A_132 = arith.select %eq3A_129, %div3A_61, %broadcast_in_dim3A_131 : vector<128x64xi1>, vector<128x64xf32>
    %reduce_sum3A_133 = arith.constant dense<0.000000e+00> : vector<128xf32>
    %reduce_sum3A_134 = vector.multi_reduction <add>, %select_n3A_132, %reduce_sum3A_133 [1] : vector<128x64xf32> to vector<128xf32>
    %broadcast_in_dim3A_135 = vector.shape_cast %reduce_sum3A_134 : vector<128xf32> to vector<128x1xf32>
    %select_n3A_136 = arith.select %eq3A_129, %div3A_61, %select_n3A_107 : vector<128x64xi1>, vector<128x64xf32>
    %swap3A_137 = arith.constant 0 : index
    %swap3A_138 = arith.constant 2 : index
    %swap3A_139 = vector.load %arg7[%swap3A_137, %swap3A_138] : memref<128x8xi32, #tpu.memory_space<vmem>>, vector<128x1xi32>
    tpu.vector_store %arg7[%swap3A_137, %swap3A_138], %broadcast_in_dim3A_127 {strides = array<i32>} : memref<128x8xi32, #tpu.memory_space<vmem>>, vector<128x1xi32>,
    %swap3A_140 = arith.constant 0 : index
    %swap3A_141 = arith.constant 2 : index
    %swap3A_142 = vector.load %arg8[%swap3A_140, %swap3A_141] : memref<128x8xf32, #tpu.memory_space<vmem>>, vector<128x1xf32>
    tpu.vector_store %arg8[%swap3A_140, %swap3A_141], %broadcast_in_dim3A_135 {strides = array<i32>} : memref<128x8xf32, #tpu.memory_space<vmem>>, vector<128x1xf32>,
    %jit3A_143 = arith.constant -1.000000e+30 : f32
    %broadcast_in_dim3A_144 = vector.broadcast %jit3A_143 : f32 to vector<128x64xf32>
    %select_n3A_145 = arith.select %eq3A_129, %broadcast_in_dim3A_144, %select_n3A_116 : vector<128x64xi1>, vector<128x64xf32>
    %reduce_max3A_146 = arith.constant dense<0xFF800000> : vector<128xf32>
    %reduce_max3A_147 = vector.multi_reduction <maximumf>, %select_n3A_145, %reduce_max3A_146 [1] : vector<128x64xf32> to vector<128xf32>
    %broadcast_in_dim3A_148 = vector.shape_cast %reduce_max3A_147 : vector<128xf32> to vector<128x1xf32>
    %eq3A_149 = vector.broadcast %broadcast_in_dim3A_148 : vector<128x1xf32> to vector<128x64xf32>
    %eq3A_150 = arith.cmpf oeq, %select_n3A_145, %eq3A_149 : vector<128x64xf32>
    %jit3A_151 = arith.constant 64 : i32
    %broadcast_in_dim3A_152 = vector.broadcast %jit3A_151 : i32 to vector<128x64xi32>
    %select_n3A_153 = arith.select %eq3A_150, %iota3A, %broadcast_in_dim3A_152 : vector<128x64xi1>, vector<128x64xi32>
    %reduce_min3A_154 = arith.constant dense<2147483647> : vector<128xi32>
    %reduce_min3A_155 = vector.multi_reduction <minsi>, %select_n3A_153, %reduce_min3A_154 [1] : vector<128x64xi32> to vector<128xi32>
    %broadcast_in_dim3A_156 = vector.shape_cast %reduce_min3A_155 : vector<128xi32> to vector<128x1xi32>
    %eq3A_157 = vector.broadcast %broadcast_in_dim3A_156 : vector<128x1xi32> to vector<128x64xi32>
    %eq3A_158 = arith.cmpi eq, %iota3A, %eq3A_157 : vector<128x64xi32>
    %jit3A_159 = arith.constant 0.000000e+00 : f32
    %broadcast_in_dim3A_160 = vector.broadcast %jit3A_159 : f32 to vector<128x64xf32>
    %select_n3A_161 = arith.select %eq3A_158, %div3A_61, %broadcast_in_dim3A_160 : vector<128x64xi1>, vector<128x64xf32>
    %reduce_sum3A_162 = arith.constant dense<0.000000e+00> : vector<128xf32>
    %reduce_sum3A_163 = vector.multi_reduction <add>, %select_n3A_161, %reduce_sum3A_162 [1] : vector<128x64xf32> to vector<128xf32>
    %broadcast_in_dim3A_164 = vector.shape_cast %reduce_sum3A_163 : vector<128xf32> to vector<128x1xf32>
    %select_n3A_165 = arith.select %eq3A_158, %div3A_61, %select_n3A_136 : vector<128x64xi1>, vector<128x64xf32>
    %swap3A_166 = arith.constant 0 : index
    %swap3A_167 = arith.constant 3 : index
    %swap3A_168 = vector.load %arg7[%swap3A_166, %swap3A_167] : memref<128x8xi32, #tpu.memory_space<vmem>>, vector<128x1xi32>
    tpu.vector_store %arg7[%swap3A_166, %swap3A_167], %broadcast_in_dim3A_156 {strides = array<i32>} : memref<128x8xi32, #tpu.memory_space<vmem>>, vector<128x1xi32>,
    %swap3A_169 = arith.constant 0 : index
    %swap3A_170 = arith.constant 3 : index
    %swap3A_171 = vector.load %arg8[%swap3A_169, %swap3A_170] : memref<128x8xf32, #tpu.memory_space<vmem>>, vector<128x1xf32>
    tpu.vector_store %arg8[%swap3A_169, %swap3A_170], %broadcast_in_dim3A_164 {strides = array<i32>} : memref<128x8xf32, #tpu.memory_space<vmem>>, vector<128x1xf32>,
    %jit3A_172 = arith.constant -1.000000e+30 : f32
    %broadcast_in_dim3A_173 = vector.broadcast %jit3A_172 : f32 to vector<128x64xf32>
    %select_n3A_174 = arith.select %eq3A_158, %broadcast_in_dim3A_173, %select_n3A_145 : vector<128x64xi1>, vector<128x64xf32>
    %reduce_max3A_175 = arith.constant dense<0xFF800000> : vector<128xf32>
    %reduce_max3A_176 = vector.multi_reduction <maximumf>, %select_n3A_174, %reduce_max3A_175 [1] : vector<128x64xf32> to vector<128xf32>
    %broadcast_in_dim3A_177 = vector.shape_cast %reduce_max3A_176 : vector<128xf32> to vector<128x1xf32>
    %eq3A_178 = vector.broadcast %broadcast_in_dim3A_177 : vector<128x1xf32> to vector<128x64xf32>
    %eq3A_179 = arith.cmpf oeq, %select_n3A_174, %eq3A_178 : vector<128x64xf32>
    %jit3A_180 = arith.constant 64 : i32
    %broadcast_in_dim3A_181 = vector.broadcast %jit3A_180 : i32 to vector<128x64xi32>
    %select_n3A_182 = arith.select %eq3A_179, %iota3A, %broadcast_in_dim3A_181 : vector<128x64xi1>, vector<128x64xi32>
    %reduce_min3A_183 = arith.constant dense<2147483647> : vector<128xi32>
    %reduce_min3A_184 = vector.multi_reduction <minsi>, %select_n3A_182, %reduce_min3A_183 [1] : vector<128x64xi32> to vector<128xi32>
    %broadcast_in_dim3A_185 = vector.shape_cast %reduce_min3A_184 : vector<128xi32> to vector<128x1xi32>
    %eq3A_186 = vector.broadcast %broadcast_in_dim3A_185 : vector<128x1xi32> to vector<128x64xi32>
    %eq3A_187 = arith.cmpi eq, %iota3A, %eq3A_186 : vector<128x64xi32>
    %jit3A_188 = arith.constant 0.000000e+00 : f32
    %broadcast_in_dim3A_189 = vector.broadcast %jit3A_188 : f32 to vector<128x64xf32>
    %select_n3A_190 = arith.select %eq3A_187, %div3A_61, %broadcast_in_dim3A_189 : vector<128x64xi1>, vector<128x64xf32>
    %reduce_sum3A_191 = arith.constant dense<0.000000e+00> : vector<128xf32>
    %reduce_sum3A_192 = vector.multi_reduction <add>, %select_n3A_190, %reduce_sum3A_191 [1] : vector<128x64xf32> to vector<128xf32>
    %broadcast_in_dim3A_193 = vector.shape_cast %reduce_sum3A_192 : vector<128xf32> to vector<128x1xf32>
    %select_n3A_194 = arith.select %eq3A_187, %div3A_61, %select_n3A_165 : vector<128x64xi1>, vector<128x64xf32>
    %swap3A_195 = arith.constant 0 : index
    %swap3A_196 = arith.constant 4 : index
    %swap3A_197 = vector.load %arg7[%swap3A_195, %swap3A_196] : memref<128x8xi32, #tpu.memory_space<vmem>>, vector<128x1xi32>
    tpu.vector_store %arg7[%swap3A_195, %swap3A_196], %broadcast_in_dim3A_185 {strides = array<i32>} : memref<128x8xi32, #tpu.memory_space<vmem>>, vector<128x1xi32>,
    %swap3A_198 = arith.constant 0 : index
    %swap3A_199 = arith.constant 4 : index
    %swap3A_200 = vector.load %arg8[%swap3A_198, %swap3A_199] : memref<128x8xf32, #tpu.memory_space<vmem>>, vector<128x1xf32>
    tpu.vector_store %arg8[%swap3A_198, %swap3A_199], %broadcast_in_dim3A_193 {strides = array<i32>} : memref<128x8xf32, #tpu.memory_space<vmem>>, vector<128x1xf32>,
    %jit3A_201 = arith.constant -1.000000e+30 : f32
    %broadcast_in_dim3A_202 = vector.broadcast %jit3A_201 : f32 to vector<128x64xf32>
    %select_n3A_203 = arith.select %eq3A_187, %broadcast_in_dim3A_202, %select_n3A_174 : vector<128x64xi1>, vector<128x64xf32>
    %reduce_max3A_204 = arith.constant dense<0xFF800000> : vector<128xf32>
    %reduce_max3A_205 = vector.multi_reduction <maximumf>, %select_n3A_203, %reduce_max3A_204 [1] : vector<128x64xf32> to vector<128xf32>
    %broadcast_in_dim3A_206 = vector.shape_cast %reduce_max3A_205 : vector<128xf32> to vector<128x1xf32>
    %eq3A_207 = vector.broadcast %broadcast_in_dim3A_206 : vector<128x1xf32> to vector<128x64xf32>
    %eq3A_208 = arith.cmpf oeq, %select_n3A_203, %eq3A_207 : vector<128x64xf32>
    %jit3A_209 = arith.constant 64 : i32
    %broadcast_in_dim3A_210 = vector.broadcast %jit3A_209 : i32 to vector<128x64xi32>
    %select_n3A_211 = arith.select %eq3A_208, %iota3A, %broadcast_in_dim3A_210 : vector<128x64xi1>, vector<128x64xi32>
    %reduce_min3A_212 = arith.constant dense<2147483647> : vector<128xi32>
    %reduce_min3A_213 = vector.multi_reduction <minsi>, %select_n3A_211, %reduce_min3A_212 [1] : vector<128x64xi32> to vector<128xi32>
    %broadcast_in_dim3A_214 = vector.shape_cast %reduce_min3A_213 : vector<128xi32> to vector<128x1xi32>
    %eq3A_215 = vector.broadcast %broadcast_in_dim3A_214 : vector<128x1xi32> to vector<128x64xi32>
    %eq3A_216 = arith.cmpi eq, %iota3A, %eq3A_215 : vector<128x64xi32>
    %jit3A_217 = arith.constant 0.000000e+00 : f32
    %broadcast_in_dim3A_218 = vector.broadcast %jit3A_217 : f32 to vector<128x64xf32>
    %select_n3A_219 = arith.select %eq3A_216, %div3A_61, %broadcast_in_dim3A_218 : vector<128x64xi1>, vector<128x64xf32>
    %reduce_sum3A_220 = arith.constant dense<0.000000e+00> : vector<128xf32>
    %reduce_sum3A_221 = vector.multi_reduction <add>, %select_n3A_219, %reduce_sum3A_220 [1] : vector<128x64xf32> to vector<128xf32>
    %broadcast_in_dim3A_222 = vector.shape_cast %reduce_sum3A_221 : vector<128xf32> to vector<128x1xf32>
    %select_n3A_223 = arith.select %eq3A_216, %div3A_61, %select_n3A_194 : vector<128x64xi1>, vector<128x64xf32>
    %swap3A_224 = arith.constant 0 : index
    %swap3A_225 = arith.constant 5 : index
    %swap3A_226 = vector.load %arg7[%swap3A_224, %swap3A_225] : memref<128x8xi32, #tpu.memory_space<vmem>>, vector<128x1xi32>
    tpu.vector_store %arg7[%swap3A_224, %swap3A_225], %broadcast_in_dim3A_214 {strides = array<i32>} : memref<128x8xi32, #tpu.memory_space<vmem>>, vector<128x1xi32>,
    %swap3A_227 = arith.constant 0 : index
    %swap3A_228 = arith.constant 5 : index
    %swap3A_229 = vector.load %arg8[%swap3A_227, %swap3A_228] : memref<128x8xf32, #tpu.memory_space<vmem>>, vector<128x1xf32>
    tpu.vector_store %arg8[%swap3A_227, %swap3A_228], %broadcast_in_dim3A_222 {strides = array<i32>} : memref<128x8xf32, #tpu.memory_space<vmem>>, vector<128x1xf32>,
    %jit3A_230 = arith.constant -1.000000e+30 : f32
    %broadcast_in_dim3A_231 = vector.broadcast %jit3A_230 : f32 to vector<128x64xf32>
    %select_n3A_232 = arith.select %eq3A_216, %broadcast_in_dim3A_231, %select_n3A_203 : vector<128x64xi1>, vector<128x64xf32>
    %reduce_max3A_233 = arith.constant dense<0xFF800000> : vector<128xf32>
    %reduce_max3A_234 = vector.multi_reduction <maximumf>, %select_n3A_232, %reduce_max3A_233 [1] : vector<128x64xf32> to vector<128xf32>
    %broadcast_in_dim3A_235 = vector.shape_cast %reduce_max3A_234 : vector<128xf32> to vector<128x1xf32>
    %eq3A_236 = vector.broadcast %broadcast_in_dim3A_235 : vector<128x1xf32> to vector<128x64xf32>
    %eq3A_237 = arith.cmpf oeq, %select_n3A_232, %eq3A_236 : vector<128x64xf32>
    %jit3A_238 = arith.constant 64 : i32
    %broadcast_in_dim3A_239 = vector.broadcast %jit3A_238 : i32 to vector<128x64xi32>
    %select_n3A_240 = arith.select %eq3A_237, %iota3A, %broadcast_in_dim3A_239 : vector<128x64xi1>, vector<128x64xi32>
    %reduce_min3A_241 = arith.constant dense<2147483647> : vector<128xi32>
    %reduce_min3A_242 = vector.multi_reduction <minsi>, %select_n3A_240, %reduce_min3A_241 [1] : vector<128x64xi32> to vector<128xi32>
    %broadcast_in_dim3A_243 = vector.shape_cast %reduce_min3A_242 : vector<128xi32> to vector<128x1xi32>
    %eq3A_244 = vector.broadcast %broadcast_in_dim3A_243 : vector<128x1xi32> to vector<128x64xi32>
    %eq3A_245 = arith.cmpi eq, %iota3A, %eq3A_244 : vector<128x64xi32>
    %jit3A_246 = arith.constant 0.000000e+00 : f32
    %broadcast_in_dim3A_247 = vector.broadcast %jit3A_246 : f32 to vector<128x64xf32>
    %select_n3A_248 = arith.select %eq3A_245, %div3A_61, %broadcast_in_dim3A_247 : vector<128x64xi1>, vector<128x64xf32>
    %reduce_sum3A_249 = arith.constant dense<0.000000e+00> : vector<128xf32>
    %reduce_sum3A_250 = vector.multi_reduction <add>, %select_n3A_248, %reduce_sum3A_249 [1] : vector<128x64xf32> to vector<128xf32>
    %broadcast_in_dim3A_251 = vector.shape_cast %reduce_sum3A_250 : vector<128xf32> to vector<128x1xf32>
    %select_n3A_252 = arith.select %eq3A_245, %div3A_61, %select_n3A_223 : vector<128x64xi1>, vector<128x64xf32>
    %swap3A_253 = arith.constant 0 : index
    %swap3A_254 = arith.constant 6 : index
    %swap3A_255 = vector.load %arg7[%swap3A_253, %swap3A_254] : memref<128x8xi32, #tpu.memory_space<vmem>>, vector<128x1xi32>
    tpu.vector_store %arg7[%swap3A_253, %swap3A_254], %broadcast_in_dim3A_243 {strides = array<i32>} : memref<128x8xi32, #tpu.memory_space<vmem>>, vector<128x1xi32>,
    %swap3A_256 = arith.constant 0 : index
    %swap3A_257 = arith.constant 6 : index
    %swap3A_258 = vector.load %arg8[%swap3A_256, %swap3A_257] : memref<128x8xf32, #tpu.memory_space<vmem>>, vector<128x1xf32>
    tpu.vector_store %arg8[%swap3A_256, %swap3A_257], %broadcast_in_dim3A_251 {strides = array<i32>} : memref<128x8xf32, #tpu.memory_space<vmem>>, vector<128x1xf32>,
    %jit3A_259 = arith.constant -1.000000e+30 : f32
    %broadcast_in_dim3A_260 = vector.broadcast %jit3A_259 : f32 to vector<128x64xf32>
    %select_n3A_261 = arith.select %eq3A_245, %broadcast_in_dim3A_260, %select_n3A_232 : vector<128x64xi1>, vector<128x64xf32>
    %reduce_max3A_262 = arith.constant dense<0xFF800000> : vector<128xf32>
    %reduce_max3A_263 = vector.multi_reduction <maximumf>, %select_n3A_261, %reduce_max3A_262 [1] : vector<128x64xf32> to vector<128xf32>
    %broadcast_in_dim3A_264 = vector.shape_cast %reduce_max3A_263 : vector<128xf32> to vector<128x1xf32>
    %eq3A_265 = vector.broadcast %broadcast_in_dim3A_264 : vector<128x1xf32> to vector<128x64xf32>
    %eq3A_266 = arith.cmpf oeq, %select_n3A_261, %eq3A_265 : vector<128x64xf32>
    %jit3A_267 = arith.constant 64 : i32
    %broadcast_in_dim3A_268 = vector.broadcast %jit3A_267 : i32 to vector<128x64xi32>
    %select_n3A_269 = arith.select %eq3A_266, %iota3A, %broadcast_in_dim3A_268 : vector<128x64xi1>, vector<128x64xi32>
    %reduce_min3A_270 = arith.constant dense<2147483647> : vector<128xi32>
    %reduce_min3A_271 = vector.multi_reduction <minsi>, %select_n3A_269, %reduce_min3A_270 [1] : vector<128x64xi32> to vector<128xi32>
    %broadcast_in_dim3A_272 = vector.shape_cast %reduce_min3A_271 : vector<128xi32> to vector<128x1xi32>
    %eq3A_273 = vector.broadcast %broadcast_in_dim3A_272 : vector<128x1xi32> to vector<128x64xi32>
    %eq3A_274 = arith.cmpi eq, %iota3A, %eq3A_273 : vector<128x64xi32>
    %jit3A_275 = arith.constant 0.000000e+00 : f32
    %broadcast_in_dim3A_276 = vector.broadcast %jit3A_275 : f32 to vector<128x64xf32>
    %select_n3A_277 = arith.select %eq3A_274, %div3A_61, %broadcast_in_dim3A_276 : vector<128x64xi1>, vector<128x64xf32>
    %reduce_sum3A_278 = arith.constant dense<0.000000e+00> : vector<128xf32>
    %reduce_sum3A_279 = vector.multi_reduction <add>, %select_n3A_277, %reduce_sum3A_278 [1] : vector<128x64xf32> to vector<128xf32>
    %broadcast_in_dim3A_280 = vector.shape_cast %reduce_sum3A_279 : vector<128xf32> to vector<128x1xf32>
    %select_n3A_281 = arith.select %eq3A_274, %div3A_61, %select_n3A_252 : vector<128x64xi1>, vector<128x64xf32>
    %swap3A_282 = arith.constant 0 : index
    %swap3A_283 = arith.constant 7 : index
    %swap3A_284 = vector.load %arg7[%swap3A_282, %swap3A_283] : memref<128x8xi32, #tpu.memory_space<vmem>>, vector<128x1xi32>
    tpu.vector_store %arg7[%swap3A_282, %swap3A_283], %broadcast_in_dim3A_272 {strides = array<i32>} : memref<128x8xi32, #tpu.memory_space<vmem>>, vector<128x1xi32>,
    %swap3A_285 = arith.constant 0 : index
    %swap3A_286 = arith.constant 7 : index
    %swap3A_287 = vector.load %arg8[%swap3A_285, %swap3A_286] : memref<128x8xf32, #tpu.memory_space<vmem>>, vector<128x1xf32>
    tpu.vector_store %arg8[%swap3A_285, %swap3A_286], %broadcast_in_dim3A_280 {strides = array<i32>} : memref<128x8xf32, #tpu.memory_space<vmem>>, vector<128x1xf32>,
    %swap3A_288 = arith.constant 0 : index
    %swap3A_289 = arith.constant 0 : index
    %swap3A_290 = vector.load %arg6[%swap3A_288, %swap3A_289] : memref<128x64xf32, #tpu.memory_space<vmem>>, vector<128x64xf32>
    tpu.vector_store %arg6[%swap3A_288, %swap3A_289], %select_n3A_281 {strides = array<i32>} : memref<128x64xf32, #tpu.memory_space<vmem>>, vector<128x64xf32>,
    %sub3A_291 = vector.broadcast %broadcast_in_dim3A_264 : vector<128x1xf32> to vector<128x64xf32>
    %sub3A_292 = arith.subf %sub3A_291, %add3A : vector<128x64xf32>
    %mul3A_293 = arith.constant 6.400000e+01 : f32
    %mul3A_294 = vector.broadcast %mul3A_293 : f32 to vector<128x64xf32>
    %mul3A_295 = arith.mulf %sub3A_292, %mul3A_294 : vector<128x64xf32>
    %mul3A_296 = arith.constant 0.707106769 : f32
    %mul3A_297 = vector.broadcast %mul3A_296 : f32 to vector<128x64xf32>
    %mul3A_298 = arith.mulf %mul3A_295, %mul3A_297 : vector<128x64xf32>
    %erf3A = math.erf %mul3A_298 : vector<128x64xf32>
    %add3A_299 = arith.constant 1.000000e+00 : f32
    %add3A_300 = vector.broadcast %add3A_299 : f32 to vector<128x64xf32>
    %add3A_301 = arith.addf %add3A_300, %erf3A : vector<128x64xf32>
    %mul3A_302 = arith.constant 5.000000e-01 : f32
    %mul3A_303 = vector.broadcast %mul3A_302 : f32 to vector<128x64xf32>
    %mul3A_304 = arith.mulf %mul3A_303, %add3A_301 : vector<128x64xf32>
    %sub3A_305 = arith.constant 1.000000e+00 : f32
    %sub3A_306 = vector.broadcast %sub3A_305 : f32 to vector<128x64xf32>
    %sub3A_307 = arith.subf %sub3A_306, %mul3A_304 : vector<128x64xf32>
    %reduce_sum3A_308 = arith.constant dense<0.000000e+00> : vector<64xf32>
    %reduce_sum3A_309 = vector.multi_reduction <add>, %sub3A_307, %reduce_sum3A_308 [0] : vector<128x64xf32> to vector<64xf32>
    %broadcast_in_dim3A_310 = vector.shape_cast %reduce_sum3A_309 : vector<64xf32> to vector<1x64xf32>
    %mul3A_311 = arith.constant 7.812500e-03 : f32
    %mul3A_312 = vector.broadcast %mul3A_311 : f32 to vector<1x64xf32>
    %mul3A_313 = arith.mulf %broadcast_in_dim3A_310, %mul3A_312 : vector<1x64xf32>
    %reduce_sum3A_314 = arith.constant dense<0.000000e+00> : vector<1xf32>
    %reduce_sum3A_315 = vector.multi_reduction <add>, %mul3A_313, %reduce_sum3A_314 [1] : vector<1x64xf32> to vector<1xf32>
    %broadcast_in_dim3A_316 = vector.shape_cast %reduce_sum3A_315 : vector<1xf32> to vector<1x1xf32>
    %mul3A_317 = arith.constant 1.562500e-02 : f32
    %mul3A_318 = vector.broadcast %mul3A_317 : f32 to vector<1x1xf32>
    %mul3A_319 = arith.mulf %broadcast_in_dim3A_316, %mul3A_318 : vector<1x1xf32>
    %sub3A_320 = vector.broadcast %mul3A_319 : vector<1x1xf32> to vector<1x64xf32>
    %sub3A_321 = arith.subf %mul3A_313, %sub3A_320 : vector<1x64xf32>
    %integer_pow3A_322 = arith.mulf %sub3A_321, %sub3A_321 : vector<1x64xf32>
    %reduce_sum3A_323 = arith.constant dense<0.000000e+00> : vector<1xf32>
    %reduce_sum3A_324 = vector.multi_reduction <add>, %integer_pow3A_322, %reduce_sum3A_323 [1] : vector<1x64xf32> to vector<1xf32>
    %broadcast_in_dim3A_325 = vector.shape_cast %reduce_sum3A_324 : vector<1xf32> to vector<1x1xf32>
    %mul3A_326 = arith.constant 0.0158730168 : f32
    %mul3A_327 = vector.broadcast %mul3A_326 : f32 to vector<1x1xf32>
    %mul3A_328 = arith.mulf %broadcast_in_dim3A_325, %mul3A_327 : vector<1x1xf32>
    %add3A_329 = arith.constant 9.99999993E-9 : f32
    %add3A_330 = vector.broadcast %add3A_329 : f32 to vector<1x1xf32>
    %add3A_331 = arith.addf %mul3A_319, %add3A_330 : vector<1x1xf32>
    %integer_pow3A_332 = arith.mulf %add3A_331, %add3A_331 : vector<1x1xf32>
    %div3A_333 = arith.divf %mul3A_328, %integer_pow3A_332 : vector<1x1xf32>
    %mul3A_334 = arith.constant 5.000000e-01 : f32
    %mul3A_335 = vector.broadcast %mul3A_334 : f32 to vector<1x1xf32>
    %mul3A_336 = arith.mulf %mul3A_335, %div3A_46 : vector<1x1xf32>
    %mul3A_337 = arith.constant 5.000000e-01 : f32
    %mul3A_338 = vector.broadcast %mul3A_337 : f32 to vector<1x1xf32>
    %mul3A_339 = arith.mulf %mul3A_338, %div3A_333 : vector<1x1xf32>
    %add3A_340 = arith.addf %mul3A_336, %mul3A_339 : vector<1x1xf32>
    %swap3A_341 = arith.constant 0 : index
    %swap3A_342 = arith.constant 0 : index
    %swap3A_343 = vector.load %arg9[%swap3A_341, %swap3A_342] : memref<1x1xf32, #tpu.memory_space<vmem>>, vector<1x1xf32>
    tpu.vector_store %arg9[%swap3A_341, %swap3A_342], %add3A_340 {strides = array<i32>} : memref<1x1xf32, #tpu.memory_space<vmem>>, vector<1x1xf32>,
    return
  }
}

</mosaic_0001>

<sc_bundles>
// kernel: sparse-core-data-format-call.cloned.1.call-start
scs
called_computation_lowered:
.L_overlay_start_0:
0x0: {  	s1 =	sld [smem:$0x3FD9]  }
0x1: {  	s2 =	sld [smem:$0x3FFE];
	_ =	sdelay $0x1  }
0x2: {  	s3 =	srdreg.scid  }
0x3: {  	s0 =	sand.u32 $0x1, s3  }
0x4: {  	s17 =	sshll.u32 s0, $0xA;
	s1 =	sadd.s32 s2, s1  }
0x5: {  	s1 =	sadd.s32 s1, s17  }
0x6: {  	[smem:$0x3FC3] =	sst s1  }
0x7: {  	_ = 	snop  }
0x8: {  	(tm) =	ssettm $0x1  }
0x9: {  	s18 =	sld [smem:$0x3FFB];
	_ =	sdelay $0x3  }
0xa: {  	_ =	strace s18  }
0xb: {  	s1 =	sld [smem:$0x3FFC];
	_ =	sdelay $0x3  }
0xc: {  	_ =	strace s1  }
0xd: {  	s1 =	sld [smem:$0x3FFD];
	_ =	sdelay $0x3  }
0xe: {  	_ =	strace s1  }
0xf: {  	_ =	strace $0x8FFFFFFF  }
0x10: {  	s19 =	sld [smem:$0x3FDB];
	_ =	sdelay $0x1  }
0x11: {  	s20 =	simm.s32 $_scs_section_size  }
0x12: {  	s4 =	simm.s32 $_size__tile_overlayer_lowered;
	s5 =	simm.s32 $_tile_overlayer_lowered  }
0x13: {  	s23 =	simm.s32 $0x1BFF;
	s22 =	sshll.u32 s5, $0x1;
	s1 =	sadd.s32 s20, s19  }
0x14: {  	s6 =	simm.s32 $0x0;
	s21 =	sshll.u32 s4, $0x1;
	s4 =	sadd.s32 s22, s1  }
0x15: {  	[timem:s6], [sflag:s23] =	dma.local [hbm:s4], s21  }
0x16: {  	_ =	swait.ge [sflag:s23], s21  }
0x17: {  	s2 =	ssub.s32 $0x0, s21;
	[sflag:s23] =	ssyncset.done $0x0  }
0x18: {  	[sflag:s23] =	ssyncadd.s32 s2;
	_ =	sdelay $0x1  }
0x19: {  	s24 =	simm.s32 $0x1B8B  }
0x1a: {  	_ =	swait.ge [sflag:s24], $0x1  }
0x1b: {  	[sflag:s24] =	ssyncset.done $0x0  }
0x1c: {  	s26 =	simm.s32 $0x1B8E;
	s25 =	sld [smem:$0x3FFE];
	[sflag:s24] =	ssyncadd.s32 $0xFFFFFFFF  }
0x1d: {  	s27 =	simm.s32 $execute0_lowered;
	[smem:$0x3FD2] =	sst s26  }
0x1e: {  	s4 =	sshll.u32 s27, $0x1;
	_ =	strace $0x80000046;
	[dreg:$0x1] =	wrdreg $0xFFFFFFFF  }
0x1f: {  	s28 =	simm.s32 $_size_execute0_lowered;
	s1 =	sadd.s32 s1, s4;
	[dreg:$0x0] =	wrdreg $0x0  }
0x20: {  	s4 =	sshll.u32 s28, $0x1;
	[dreg:$0x2] =	wrdreg s1  }
0x21: {  	[dreg:$0x3] =	wrdreg s4  }
0x22: {  	[dreg:$0x4] =	wrdreg $0xC0  }
0x23: {  	_ =	task [dreg:s6], $0x5FFFF  }
0x24: {  	[dreg:$0x1] =	wrdreg $0xFFFFFFFF  }
0x25: {  	[dreg:$0x0] =	wrdreg $0x60  }
0x26: {  	[dreg:$0x2] =	wrdreg s25  }
0x27: {  	[dreg:$0x3] =	wrdreg $0x9  }
0x28: {  	_ =	task.clear_ibuf [dreg:s6], $0x4FFFF;
	_ =	strace $0x90000046  }
0x29: {  	s29 =	simm.s32 $0x9;
	_ =	strace $0x80000048  }
0x2a: {  	_ =	swait.ge [sflag:s29], $0x1  }
0x2b: {  	[sflag:s29] =	ssyncadd.s32 $0xFFFFFFFF  }
0x2c: {  	_ =	strace $0x90000048  }
0x2d: {  	_ =	sfence  }
0x2e: {  	s30 =	sld [smem:$0x0];
	_ =	sdelay $0x2  }
0x2f: {  	s31 =	sshll.u32 s3, $0xD;
	s3 =	sshrl.u32 s3, $0x2  }
0x30: {  	s2 =	sand.u32 $0x4000, s31;
	s1 =	sadd.s32 s3, s30  }
0x31: {  	s0 =	sor.u32 s2, s0;
	s1 =	sshll.u32 s1, $0x11  }
0x32: {  	s0 =	sor.u32 s1, s0  }
0x33: {  	s0 =	sadd.s32 $0x8F2B, s0  }
0x34: {  	[sflag:s0] =	ssyncadd.remote.s32 $0x1  }
0x35: {  	_ =	sfence.sel $0xFFFF  }
0x36: {  	[dreg:$0x0] =	wrdreg $0xFFFFFFFF;
	(pc) =	sbr.abs _section_cstart, $3  }
0x37: {  	[dreg:$0x1] =	wrdreg $0xFFFFFFFF  }
0x38: {  	_ =	task.clear_ibuf [dreg:s6], $0x2FFFF;
	_ =	strace $0x9FFFFFFF  }
0x39: {  	(tm) =	ssettm $0x7FFFFFFF  }
tec
execute0_lowered:
.L_overlay_start_1:
0x0: {  	(tag) =	ssettag $0x1  }
0x1: {  	s1 =	rddreg [dreg:$0x0]  }
0x2: {  	s0 =	rddreg [dreg:$0x1]  }
0x3: {  	_ =	strace $0x80000047;
	s4 =	srdreg.scid;
	s6 =	simm.s32 $0x2  }
0x4: {  	s14 =	simm.s32 $0x0;
	p0 =	por $0x0, $0x0;
	s12 =	simm.s32 $0x0  }
0x5: {  	s15 =	simm.s32 $0x0;
	s13 =	simm.s32 $0x0;
	s8 =	simm.s32 $0x0  }
.Ltmp0:
0x6: {  	s9 =	simm.s32 $0x0;
	s10 =	simm.s32 $0x0;
	(pc) =	sbr.rel .LBB1_1-.Ltmp0, $4  }
0x7: {  	s2 =	sadd.s32 $0xC00, s1;
	s3 =	sadd.s32 $0x300C00, s1;
	s5 =	sshll.u32 s4, $0x4  }
0x8: {  	s1 =	stileid.u32;
	s4 =	simm.s32 $0x1;
	s5 =	sand.u32 $0x10, s5  }
0x9: {  	s7 =	simm.s32 $0x0;
	[sflag:s4] =	ssyncpa.u1 $0x0;
	s5 =	sor.u32 s1, s5  }
0xa: {  	[sflag:s6] =	ssyncpa.u1 $0x0;
	s6 =	simm.s32 $0x1800;
	s11 =	smov.u32 s5  }
.LBB1_5:
0xb: {  	s16 =	sadd.s32 $0x80, s8  }
0xc: {  	s12 =	sadd.s32 $0x80, s9;
	s17 =	smov.u32 s9;
	p2 =	sgt.s32 s16, $0x2FF  }
0xd: {  	s17 =	smov.u32 @p2 s12  }
0xe: {  	s12 =	simm.s32 $0x1;
	p3 =	sgt.s32 s17, $0x7F  }
0xf: {  	s12 =	simm.s32 @!p3 $0x0  }
0x10: {  	s18 =	sadd.s32 s12, s10  }
0x11: {  	s19 =	smov.u32 s11;
	s12 =	sadd.s32 $0x20, s11;
	p4 =	sgt.s32 s18, $0x7  }
0x12: {  	p1 =	slt.u32 s7, $0x2;
	s19 =	smov.u32 @p4 s12  }
0x13: {  	s7 =	sadd.s32 $0x1, s7;
	s16 =	simm.s32 @p2 $0x0;
	p2 =	sgt.s32 s19, $0x1F  }
0x14: {  	s14 =	smov.u32 s8;
	s19 =	smov.u32 @p2 s5;
	p2 =	sne.s32 s7, $0x32  }
.Ltmp1:
0x15: {  	s15 =	smov.u32 s10;
	s20 =	simm.s32 @!p1 $0x2;
	(pc) =	sbr.rel @!p2 .LBB1_6-.Ltmp1, $4  }
0x16: {  	s13 =	smov.u32 s11;
	p0 =	por !p0, !p0;
	_ =	swait.ge @!p1 [sflag:s20], $0x4000  }
0x17: {  	[sflag:s20] =	ssyncset.done @!p1 $0x0;
	s8 =	smov.u32 s16;
	s17 =	simm.s32 @p3 $0x0  }
0x18: {  	[sflag:s20] =	ssyncadd.s32 @!p1 $0xFFFFC000;
	s18 =	simm.s32 @p4 $0x0;
	s12 =	smov.u32 s9  }
0x19: {  	s9 =	smov.u32 s17;
	s10 =	smov.u32 s18;
	s11 =	smov.u32 s19  }
.LBB1_1:
0x1a: {  	p1 =	sgt.u32 s7, $0x2F  }
0x1b: {  	s16 =	sshrl.u32 @!p1 s9, $0x3  }
0x1c: {  	s17 =	sshll.u32 @!p1 s8, $0x3;
	s16 =	smul.u32 @!p1 $0x1800, s16  }
0x1d: {  	s18 =	sshll.u32 @!p1 s9, $0x7;
	s17 =	sand.u32 @!p1 $0xFFFFFC00, s17  }
0x1e: {  	s16 =	sadd.s32 @!p1 s16, s17;
	s17 =	sand.u32 @!p1 $0x380, s18  }
0x1f: {  	s18 =	sand.u32 @!p1 $0x7F, s8;
	s16 =	sor.u32 @!p1 s17, s16  }
0x20: {  	s17 =	sor.u32 @!p1 s18, s16  }
0x21: {  	s18 =	smulhi.u32 @!p1 $0xAAAAAAAB, s17  }
0x22: {  	s16 =	smulhi.u32 @!p1 $0xAAAAAAAB, s16  }
0x23: {  	s20 =	smul.u32 @!p1 $0x18000, s11;
	s18 =	sshrl.u32 @!p1 s18, $0x9  }
0x24: {  	s19 =	sxor.u32 @!p1 $0xFFFFFFFF, s7;
	s16 =	sshrl.u32 @!p1 s16, $0x9;
	s18 =	smul.u32 @!p1 $0x300, s18  }
0x25: {  	s21 =	smul.u32 @!p1 $0x3000, s10;
	s19 =	sshll.u32 @!p1 s19, $0xE;
	s16 =	sand.u32 @!p1 $0x7F, s16  }
0x26: {  	s16 =	smul.u32 @!p1 $0x60, s16;
	s17 =	ssub.s32 @!p1 s17, s18;
	s18 =	sadd.s32 @!p1 s2, s20  }
0x27: {  	s19 =	sand.u32 @!p1 $0x4000, s19;
	s18 =	sadd.s32 @!p1 s21, s18;
	s20 =	sand.u32 @!p1 $0x7, s17  }
0x28: {  	s17 =	sshrl.u32 @!p1 s17, $0x3;
	s16 =	sadd.s32 @!p1 s16, s18;
	s18 =	sshll.u32 @!p1 s20, $0x12  }
0x29: {  	s16 =	sadd.s32 @!p1 s17, s16;
	s17 =	sor.u32 @!p1 $0x400, s18;
	s18 =	simm.s32 @!p1 $0x1800  }
0x2a: {  	[tilespmem:s19], [sflag:$0x1] =	stream.strided.gather @!p1 [hbm4b:s16+s17], $0x4000, s18, s17, $0x38;
	[tilespmem:$0x10000] =	vst v63  }
0x2b: {  	p1 =	seq.s32 s7, $0x0  }
0x2c: {  	p2 =	seq.s32 @!p1 s7, $0x31  }
0x2d: {  	p1 =	por p1, p2  }
.Ltmp2:
0x2e: {  	_ = 	snop;
	(pc) =	sbr.rel @p1 .LBB1_5-.Ltmp2, $1  }
0x2f: {  	_ =	sdelay $0x3  }
0x30: {  	s16 =	simm.s32 $0x1  }
0x31: {  	s16 =	simm.s32 @!p0 $0x0  }
0x32: {  	s16 =	sshll.u32 s16, $0xE  }
0x33: {  	s17 =	sor.u32 $0x40, s16  }
0x34: {  	v1 =	vmov s17;
	_ =	sdelay $0x1  }
0x35: {  	_ =	swait.ge [sflag:s4], $0x4000  }
0x36: {  	[sflag:s4] =	ssyncset.done $0x0  }
0x37: {  	s18 =	simm.s32 $0x0;
	[sflag:s4] =	ssyncadd.s32 $0xFFFFC000  }
0x38: {  	s16 =	sor.u32 $0x8070, s16;
	v6 =	vld.idx.msk [tilespmem:v1+s18+$0x30 ss:$0x1], $0xffff  }
0x39: {  	v0 =	vmov s16;
	v8 =	vld.idx.msk [tilespmem:v1+s18+$0xFFFFFFC0 ss:$0x1], $0xffff  }
0x3a: {  	v7 =	vld.idx.msk [tilespmem:v1+s18+$0xFFFFFFD0 ss:$0x1], $0xffff  }
0x3b: {  	v5 =	vld.idx.msk [tilespmem:v1+s18+$0xFFFFFFE0 ss:$0x1], $0xffff  }
0x3c: {  	v4 =	vld.idx.msk [tilespmem:v1+s18+$0xFFFFFFF0 ss:$0x1], $0xffff  }
0x3d: {  	s31 =	sshll.u32 s7, $0xE;
	v2 =	vld.idx.msk [tilespmem:v1+s18+$0x0 ss:$0x1], $0xffff  }
0x3e: {  	s16 =	sand.u32 $0x4000, s31;
	v3 =	vld.idx.msk [tilespmem:v1+s18+$0x10 ss:$0x1], $0xffff;
	[tilespmem:v0+s18+$0x0 ss:$0x1] =	vst.idx.msk $0xffff, v6  }
0x3f: {  	s19 =	simm.s32 $0x400;
	s17 =	simm.s32 $0x80;
	s16 =	sor.u32 $0x8000, s16;
	[tilespmem:v0+s18+$0xFFFFFF90 ss:$0x1] =	vst.idx.msk $0xffff, v8;
	v6 =	vld.idx.msk [tilespmem:v1+s18+$0x20 ss:$0x1], $0xffff  }
.LBB1_3:
0x40: {  	p1 =	sne.s32 s19, $0xFE00;
	v8 =	vld.idx.msk [tilespmem:v1+s17+$0x30 ss:$0x1], $0xffff;
	[tilespmem:v0+s18+$0xFFFFFFA0 ss:$0x1] =	vst.idx.msk $0xffff, v7  }
0x41: {  	v9 =	vld.idx.msk [tilespmem:v1+s17+$0xFFFFFFC0 ss:$0x1], $0xffff;
	[tilespmem:v0+s18+$0xFFFFFFB0 ss:$0x1] =	vst.idx.msk $0xffff, v5  }
0x42: {  	v7 =	vld.idx.msk [tilespmem:v1+s17+$0xFFFFFFD0 ss:$0x1], $0xffff;
	[tilespmem:v0+s18+$0xFFFFFFC0 ss:$0x1] =	vst.idx.msk $0xffff, v4  }
.Ltmp3:
0x43: {  	v5 =	vld.idx.msk [tilespmem:v1+s17+$0xFFFFFFE0 ss:$0x1], $0xffff;
	[tilespmem:v0+s18+$0xFFFFFFD0 ss:$0x1] =	vst.idx.msk $0xffff, v2;
	(pc) =	sbr.rel @p1 .LBB1_3-.Ltmp3, $4  }
0x44: {  	v4 =	vld.idx.msk [tilespmem:v1+s17+$0xFFFFFFF0 ss:$0x1], $0xffff;
	[tilespmem:v0+s18+$0xFFFFFFE0 ss:$0x1] =	vst.idx.msk $0xffff, v3  }
0x45: {  	v2 =	vld.idx.msk [tilespmem:v1+s17+$0x0 ss:$0x1], $0xffff;
	[tilespmem:v0+s18+$0xFFFFFFF0 ss:$0x1] =	vst.idx.msk $0xffff, v6;
	s18 =	smov.u32 s17  }
0x46: {  	v3 =	vld.idx.msk [tilespmem:v1+s18+$0x10 ss:$0x1], $0xffff;
	[tilespmem:v0+s18+$0x0 ss:$0x1] =	vst.idx.msk $0xffff, v8  }
0x47: {  	s17 =	sshra.s32 s19, $0x2;
	s19 =	sadd.s32 $0x200, s19;
	[tilespmem:v0+s18+$0xFFFFFF90 ss:$0x1] =	vst.idx.msk $0xffff, v9;
	v6 =	vld.idx.msk [tilespmem:v1+s18+$0x20 ss:$0x1], $0xffff  }
0x48: {  	_ =	sdelay $0x2  }
0x49: {  	s19 =	sshrl.u32 s15, $0x3  }
0x4a: {  	s20 =	sshll.u32 s14, $0x3;
	[tilespmem:v0+s18+$0xFFFFFFA0 ss:$0x1] =	vst.idx.msk $0xffff, v7;
	s19 =	smul.u32 $0x1800, s19  }
0x4b: {  	s27 =	sshll.u32 s15, $0x7;
	v56 =	vld.idx.msk [tilespmem:v1+s17+$0x30 ss:$0x1], $0xffff;
	[tilespmem:v0+s18+$0xFFFFFFB0 ss:$0x1] =	vst.idx.msk $0xffff, v5;
	s20 =	sand.u32 $0xFFFFFC00, s20  }
0x4c: {  	v57 =	vld.idx.msk [tilespmem:v1+s17+$0xFFFFFFC0 ss:$0x1], $0xffff;
	s15 =	sand.u32 $0x380, s27;
	[tilespmem:v0+s18+$0xFFFFFFC0 ss:$0x1] =	vst.idx.msk $0xffff, v4;
	s19 =	sadd.s32 s19, s20  }
0x4d: {  	s28 =	sand.u32 $0x7F, s14;
	v58 =	vld.idx.msk [tilespmem:v1+s17+$0xFFFFFFD0 ss:$0x1], $0xffff;
	[tilespmem:v0+s18+$0xFFFFFFD0 ss:$0x1] =	vst.idx.msk $0xffff, v2;
	s15 =	sor.u32 s15, s19  }
0x4e: {  	v59 =	vld.idx.msk [tilespmem:v1+s17+$0xFFFFFFE0 ss:$0x1], $0xffff;
	[tilespmem:v0+s18+$0xFFFFFFE0 ss:$0x1] =	vst.idx.msk $0xffff, v3;
	s14 =	sor.u32 s28, s15;
	s15 =	smulhi.u32 $0xAAAAAAAB, s15  }
0x4f: {  	v60 =	vld.idx.msk [tilespmem:v1+s17+$0xFFFFFFF0 ss:$0x1], $0xffff;
	[tilespmem:v0+s18+$0xFFFFFFF0 ss:$0x1] =	vst.idx.msk $0xffff, v6;
	s29 =	smulhi.u32 $0xAAAAAAAB, s14  }
0x50: {  	v61 =	vld.idx.msk [tilespmem:v1+s17+$0x0 ss:$0x1], $0xffff;
	s13 =	smul.u32 $0x18000, s13;
	[tilespmem:v0+s17+$0x0 ss:$0x1] =	vst.idx.msk $0xffff, v56  }
0x51: {  	v62 =	vld.idx.msk [tilespmem:v1+s17+$0x10 ss:$0x1], $0xffff;
	s12 =	smul.u32 $0x300, s12;
	[tilespmem:v0+s17+$0xFFFFFF90 ss:$0x1] =	vst.idx.msk $0xffff, v57;
	s15 =	sshrl.u32 s15, $0x9;
	s30 =	sshrl.u32 s29, $0x9  }
0x52: {  	v63 =	vld.idx.msk [tilespmem:v1+s17+$0x20 ss:$0x1], $0xffff;
	[tilespmem:v0+s17+$0xFFFFFFA0 ss:$0x1] =	vst.idx.msk $0xffff, v58;
	s15 =	sand.u32 $0x7, s15;
	s18 =	smul.u32 $0x300, s30  }
0x53: {  	[tilespmem:v0+s17+$0xFFFFFFB0 ss:$0x1] =	vst.idx.msk $0xffff, v59;
	s15 =	smul.u32 $0x60, s15  }
.Ltmp4:
0x54: {  	s13 =	sadd.s32 s3, s13;
	[tilespmem:v0+s17+$0xFFFFFFC0 ss:$0x1] =	vst.idx.msk $0xffff, v60;
	s14 =	ssub.s32 s14, s18;
	(pc) =	sbr.rel .LBB1_5-.Ltmp4, $4  }
0x55: {  	s12 =	sadd.s32 s12, s13;
	[tilespmem:v0+s17+$0xFFFFFFD0 ss:$0x1] =	vst.idx.msk $0xffff, v61;
	s31 =	sand.u32 $0x7, s14  }
0x56: {  	[tilespmem:v0+s17+$0xFFFFFFE0 ss:$0x1] =	vst.idx.msk $0xffff, v62;
	s12 =	sadd.s32 s15, s12;
	s14 =	sshrl.u32 s14, $0x3;
	s13 =	sshll.u32 s31, $0x12  }
0x57: {  	[tilespmem:v0+s17+$0xFFFFFFF0 ss:$0x1] =	vst.idx.msk $0xffff, v63;
	s12 =	sadd.s32 s14, s12;
	s13 =	sor.u32 $0x80, s13  }
0x58: {  	[hbm4b:s12+s13] =	stream.strided.scatter [tilespmem:s16], [sflag:$0x2], $0x4000, s6, s13, $0x38;
	[tilespmem:$0x10000] =	vst v63  }
.LBB1_6:
0x59: {  	_ =	sfence.sel $0x180000  }
0x5a: {  	s2 =	simm.s32 $0x1;
	[bflag:$0x0] =	sbarrier.arrive $0xFFFF  }
0x5b: {  	s31 =	simm.s32 $0x2;
	[sflag:s2] =	ssyncpa.u1 $0x1  }
0x5c: {  	[sflag:s31] =	ssyncpa.u1 $0x1  }
0x5d: {  	p0 =	sne.s32 s1, $0x0;
	_ =	strace $0x90000047  }
0x5e: {  	s0 =	sadd.s32 @!p0 $0x100000, s0;
	[bflag:$0x2] =	sbarrier.arrive $0xFFFF  }
0x5f: {  	[sflag:s0] =	ssyncadd.tile.s32 @!p0 $0x1;
	_ =	shalt  }
.Lfunc_end1:
_tile_overlayer_lowered:
.L_overlay_start_2:
0x60: {  	(tag) =	ssettag $0x2  }
0x61: {  	s0 =	rddreg [dreg:$0x0];
	s2 =	stileid.u32  }
0x62: {  	s1 =	rddreg [dreg:$0x1];
	p0 =	sne.s32 s2, $0x0  }
0x63: {  	s3 =	rddreg [dreg:$0x2];
	[bflag:$0x3] =	sbarrier.arrive $0xFFFF;
	s2 =	simm.s32 @!p0 $0x1C01  }
0x64: {  	[timem:s3], [sflag:s2] =	dma.local @!p0 [hbm:s0], s1  }
0x65: {  	s0 =	simm.s32 @!p0 $0x1  }
0x66: {  	_ =	swait.ge @!p0 [sflag:s0], s1  }
0x67: {  	s1 =	ssub.s32 @!p0 $0x0, s1;
	[sflag:s0] =	ssyncset.done @!p0 $0x0  }
0x68: {  	[sflag:s0] =	ssyncadd.s32 @!p0 s1  }
0x69: {  	[bflag:$0x3] =	sbarrier.arrive $0xFFFF  }
0x6a: {  	_ =	shalt  }

</sc_bundles>
